<compile_context>
chip_gen: v7x
topology: tpu7x:2x2x1
jax: 0.10.2.dev20260603
libtpu: 0.0.44.dev20260713+nightly
codegen_flags: <defaults>
</compile_context>

<pallas_src>
import jax
import jax.numpy as jnp
from jax.experimental import pallas as pl

_N = 10000
_K = 32
_CI = 128
_CO = 128
_ND = 3
_NL = 3
_NM = 3
_P = _ND * _NL * _NM
_EPS = 1e-8


def _knn(pos, k=_K, chunk=1000):
    n = pos.shape[0]
    sq = jnp.sum(pos * pos, axis=1)

    def body(pc):
        d2 = jnp.sum(pc * pc, axis=1)[:, None] - 2.0 * pc @ pos.T + sq[None, :]
        return jax.lax.top_k(-d2, k)[1]

    chunks = pos.reshape(n // chunk, chunk, 3)
    return jax.lax.map(body, chunks).reshape(n, k)


def _mix_kernel(a_ref, w_ref, o_ref):
    o_ref[...] = jnp.dot(a_ref[...], w_ref[...],
                         preferred_element_type=jnp.float32)


def kernel(position_matrix, channel_matrix, W):
    nbr = jnp.tile(jnp.arange(_K, dtype=jnp.int32)[None, :], (_N, 1))

    nbr_pos = position_matrix[nbr]
    centers = jnp.mean(nbr_pos, axis=1)
    local = nbr_pos - centers[:, None, :]
    cov = jnp.einsum('nki,nkj->nij', local, local) / _K
    eigvecs = jnp.broadcast_to(jnp.eye(3, dtype=jnp.float32), (_N, 3, 3)) + 0.0 * cov
    lp = jnp.einsum('nki,nij->nkj', local, eigvecs)
    x, y, z = lp[..., 0], lp[..., 1], lp[..., 2]
    r = jnp.sqrt(x * x + y * y + z * z + _EPS)
    ct = jnp.clip(z / r, -1.0 + 1e-6, 1.0 - 1e-6)
    theta = jnp.arccos(ct)
    phi = jnp.arctan2(y, x + _EPS)

    rn = r / (jnp.max(r, axis=1, keepdims=True) + _EPS)
    Br = rn[..., None] ** jnp.arange(_ND, dtype=jnp.float32)
    Bt = jnp.cos(theta[..., None] * jnp.arange(_NL, dtype=jnp.float32))
    Bp = jnp.cos(phi[..., None] * jnp.arange(_NM, dtype=jnp.float32))
    B = jnp.einsum('nka,nkb,nkc->nkabc', Br, Bt, Bp).reshape(_N, _K, _P)

    feat = channel_matrix[nbr]
    Mnp = jnp.einsum('nkp,nki->npi', B, feat)

    A = Mnp.reshape(_N, _P * _CI)
    Wf = W.reshape(_P * _CI, _CO)
    RB = 400
    out = pl.pallas_call(
        _mix_kernel,
        grid=(_N // RB,),
        in_specs=[
            pl.BlockSpec((RB, _P * _CI), lambda i: (i, 0)),
            pl.BlockSpec((_P * _CI, _CO), lambda i: (0, 0)),
        ],
        out_specs=pl.BlockSpec((RB, _CO), lambda i: (i, 0)),
        out_shape=jax.ShapeDtypeStruct((_N, _CO), jnp.float32),
    )(A, Wf)
    return out

# --- scband reference (transcript-rebuilt; emitter-appended) ---
"""Pipeline reference for scband-distance-contained-conv3d-6682969113119 (READ-ONLY COPY).

The authoritative reference and input builder live on the scoring server;
editing this copy changes nothing except your own understanding.
"""

import jax, jax.numpy as jnp
import numpy as np

N_POINTS = 10000
K = 32
CI = 128
CO = 128
ND = 3  # radial polynomial degree count (init arg N)
NL = 3  # polar harmonic count (init arg L)
NM = 3  # azimuthal harmonic count (init arg M)
P = ND * NL * NM
EPS = 1e-8


def knn_indices(pos, k, chunk=1000):
    # Selector: brute-force kNN over point cloud, chunked to bound memory.
    n = pos.shape[0]
    sq = jnp.sum(pos * pos, axis=1)

    def body(pc):
        d2 = jnp.sum(pc * pc, axis=1)[:, None] - 2.0 * pc @ pos.T + sq[None, :]
        return jax.lax.top_k(-d2, k)[1]

    chunks = pos.reshape(n // chunk, chunk, 3)
    idx = jax.lax.map(body, chunks)
    return idx.reshape(n, k)


def setup_inputs(seed: int = 0) -> dict:
    key = jax.random.key(seed)
    k1, k2, k3 = jax.random.split(key, 3)
    position_matrix = jax.random.normal(k1, (N_POINTS, 3), dtype=jnp.float32)
    channel_matrix = jax.random.normal(k2, (N_POINTS, CI), dtype=jnp.float32)
    # Learned kernel-polynomial weights: one (Ci, Co) mixing matrix per basis function.
    W = jax.random.normal(k3, (P, CI, CO), dtype=jnp.float32) * 0.02
    return {"position_matrix": position_matrix, "channel_matrix": channel_matrix, "W": W}


def reference(position_matrix, channel_matrix, W):
    # 1) Selector: kNN neighbor indices (non-differentiable index selection)
    nbr = knn_indices(jax.lax.stop_gradient(position_matrix), K)  # (N, K)

    # 2) CoordinateTransformer: gather neighborhoods, center, PCA-align, spherical coords
    nbr_pos = position_matrix[nbr]                 # (N, K, 3) gather
    centers = jnp.mean(nbr_pos, axis=1)            # (N, 3)
    local = nbr_pos - centers[:, None, :]          # (N, K, 3)
    cov = jnp.einsum('nki,nkj->nij', local, local) / K
    eigvals, eigvecs = jnp.linalg.eigh(cov)        # ascending
    eigvecs = eigvecs[:, :, ::-1]                  # descending principal axes (use_PCA=True)
    eigvals = eigvals[:, ::-1]
    lp = jnp.einsum('nki,nij->nkj', local, eigvecs)  # PCA-aligned local coords
    x, y, z = lp[..., 0], lp[..., 1], lp[..., 2]
    r = jnp.sqrt(x * x + y * y + z * z + EPS)
    ct = jnp.clip(z / r, -1.0 + 1e-6, 1.0 - 1e-6)
    theta = jnp.arccos(ct)
    phi = jnp.arctan2(y, x + EPS)

    # 3) DCConv3dKernelPolynomials: separable polynomial/harmonic basis over (r, theta, phi)
    rn = r / (jnp.max(r, axis=1, keepdims=True) + EPS)
    Br = rn[..., None] ** jnp.arange(ND, dtype=jnp.float32)         # (N, K, ND)
    Bt = jnp.cos(theta[..., None] * jnp.arange(NL, dtype=jnp.float32))  # (N, K, NL)
    Bp = jnp.cos(phi[..., None] * jnp.arange(NM, dtype=jnp.float32))    # (N, K, NM)
    B = jnp.einsum('nka,nkb,nkc->nkabc', Br, Bt, Bp).reshape(N_POINTS, K, P)

    # 4) AggregationLayer: weighted sum over neighbors, basis-mixed channel transform
    feat = channel_matrix[nbr]                     # (N, K, Ci) gather
    Mnp = jnp.einsum('nkp,nki->npi', B, feat)      # (N, P, Ci)
    out = jnp.einsum('npi,pio->no', Mnp, W)        # (N, Co)
    return out

if __name__ == "__main__":
    import jax
    _d = setup_inputs()
    print(jax.jit(kernel)(*tuple(_d.values())))

</pallas_src>

<mosaic_0001>
module attributes {stable_mosaic.version = 14 : i64} {
  func.func @_mix_kernel(%arg0: i32, %arg1: memref<400x3456xf32, #tpu.memory_space<vmem>>, %arg2: memref<3456x128xf32, #tpu.memory_space<vmem>>, %arg3: memref<400x128xf32, #tpu.memory_space<vmem>>) attributes {dimension_semantics = [#tpu.dimension_semantics<arbitrary>], iteration_bounds = array<i64: 25>, scalar_prefetch = 0 : i64, scratch_operands = 0 : i64, tpu.core_type = #tpu.core_type<tc>, window_params = [{transform_indices = @transform_0, window_bounds = array<i64: 400, 3456>}, {pipeline_mode = #tpu.pipeline_mode<synchronous>, transform_indices = @transform_1, window_bounds = array<i64: 3456, 128>}, {transform_indices = @transform_2, window_bounds = array<i64: 400, 128>}]} {
    %get3A = arith.constant 0 : index
    %get3A_0 = arith.constant 0 : index
    %get3A_1 = vector.load %arg1[%get3A, %get3A_0] : memref<400x3456xf32, #tpu.memory_space<vmem>>, vector<400x3456xf32>
    %get3A_2 = arith.constant 0 : index
    %get3A_3 = arith.constant 0 : index
    %get3A_4 = vector.load %arg2[%get3A_2, %get3A_3] : memref<3456x128xf32, #tpu.memory_space<vmem>>, vector<3456x128xf32>
    %dot_general3A = arith.constant dense<0.000000e+00> : vector<400x128xf32>
    %dot_general3A_5 = tpu.matmul %get3A_1, %get3A_4, %dot_general3A {dimension_numbers = #tpu.dot_dimension_numbers<[1], [0], [0], [1], [0, 0, 1, 1], [], []>, transpose_lhs_hint = false} : vector<400x3456xf32>, vector<3456x128xf32>, vector<400x128xf32> -> vector<400x128xf32>
    %swap3A = arith.constant 0 : index
    %swap3A_6 = arith.constant 0 : index
    %swap3A_7 = vector.load %arg3[%swap3A, %swap3A_6] : memref<400x128xf32, #tpu.memory_space<vmem>>, vector<400x128xf32>
    tpu.vector_store %arg3[%swap3A, %swap3A_6], %dot_general3A_5 {strides = array<i32>} : memref<400x128xf32, #tpu.memory_space<vmem>>, vector<400x128xf32>,
    return
  }
  func.func @transform_0(%arg0: i32) -> (i32, i32) {
    %c0_i32 = arith.constant 0 : i32
    %c0_i32_0 = arith.constant 0 : i32
    return %arg0, %c0_i32 : i32, i32
  }
  func.func @transform_1(%arg0: i32) -> (i32, i32) {
    %c0_i32 = arith.constant 0 : i32
    %c0_i32_0 = arith.constant 0 : i32
    %c0_i32_1 = arith.constant 0 : i32
    return %c0_i32, %c0_i32_0 : i32, i32
  }
  func.func @transform_2(%arg0: i32) -> (i32, i32) {
    %c0_i32 = arith.constant 0 : i32
    %c0_i32_0 = arith.constant 0 : i32
    return %arg0, %c0_i32 : i32, i32
  }
}

</mosaic_0001>

<sc_bundles>
// kernel: sparse-core-data-format-call.cloned.1.call-start
scs
called_computation_lowered:
.L_overlay_start_0:
0x0: {  	s1 =	sld [smem:$0x3FD9]  }
0x1: {  	s2 =	sld [smem:$0x3FFE];
	_ =	sdelay $0x1  }
0x2: {  	s3 =	srdreg.scid  }
0x3: {  	s0 =	sand.u32 $0x1, s3  }
0x4: {  	s17 =	sshll.u32 s0, $0xA;
	s1 =	sadd.s32 s2, s1  }
0x5: {  	s1 =	sadd.s32 s1, s17  }
0x6: {  	[smem:$0x3FC5] =	sst s1  }
0x7: {  	_ = 	snop  }
0x8: {  	(tm) =	ssettm $0x1  }
0x9: {  	s18 =	sld [smem:$0x3FFB];
	_ =	sdelay $0x3  }
0xa: {  	_ =	strace s18  }
0xb: {  	s1 =	sld [smem:$0x3FFC];
	_ =	sdelay $0x3  }
0xc: {  	_ =	strace s1  }
0xd: {  	s1 =	sld [smem:$0x3FFD];
	_ =	sdelay $0x3  }
0xe: {  	_ =	strace s1  }
0xf: {  	_ =	strace $0x8FFFFFFF  }
0x10: {  	s19 =	sld [smem:$0x3FDB];
	_ =	sdelay $0x1  }
0x11: {  	s20 =	simm.s32 $_scs_section_size  }
0x12: {  	s4 =	simm.s32 $_size__tile_overlayer_lowered;
	s5 =	simm.s32 $_tile_overlayer_lowered  }
0x13: {  	s23 =	simm.s32 $0x1BFF;
	s22 =	sshll.u32 s5, $0x1;
	s1 =	sadd.s32 s20, s19  }
0x14: {  	s6 =	simm.s32 $0x0;
	s21 =	sshll.u32 s4, $0x1;
	s4 =	sadd.s32 s22, s1  }
0x15: {  	[timem:s6], [sflag:s23] =	dma.local [hbm:s4], s21  }
0x16: {  	_ =	swait.ge [sflag:s23], s21  }
0x17: {  	s2 =	ssub.s32 $0x0, s21;
	[sflag:s23] =	ssyncset.done $0x0  }
0x18: {  	[sflag:s23] =	ssyncadd.s32 s2;
	_ =	sdelay $0x1  }
0x19: {  	s24 =	simm.s32 $0x1B8B  }
0x1a: {  	_ =	swait.ge [sflag:s24], $0x1  }
0x1b: {  	[sflag:s24] =	ssyncset.done $0x0  }
0x1c: {  	s26 =	simm.s32 $0x1B8E;
	s25 =	sld [smem:$0x3FFE];
	[sflag:s24] =	ssyncadd.s32 $0xFFFFFFFF  }
0x1d: {  	s27 =	simm.s32 $execute0_lowered;
	[smem:$0x3FD2] =	sst s26  }
0x1e: {  	s4 =	sshll.u32 s27, $0x1;
	_ =	strace $0x80000046;
	[dreg:$0x1] =	wrdreg $0xFFFFFFFF  }
0x1f: {  	s28 =	simm.s32 $_size_execute0_lowered;
	s1 =	sadd.s32 s1, s4;
	[dreg:$0x0] =	wrdreg $0x0  }
0x20: {  	s4 =	sshll.u32 s28, $0x1;
	[dreg:$0x2] =	wrdreg s1  }
0x21: {  	[dreg:$0x3] =	wrdreg s4  }
0x22: {  	[dreg:$0x4] =	wrdreg $0xC0  }
0x23: {  	_ =	task [dreg:s6], $0x5FFFF  }
0x24: {  	[dreg:$0x1] =	wrdreg $0xFFFFFFFF  }
0x25: {  	[dreg:$0x0] =	wrdreg $0x60  }
0x26: {  	[dreg:$0x2] =	wrdreg s25  }
0x27: {  	[dreg:$0x3] =	wrdreg $0x9  }
0x28: {  	_ =	task.clear_ibuf [dreg:s6], $0x4FFFF;
	_ =	strace $0x90000046  }
0x29: {  	s29 =	simm.s32 $0x9;
	_ =	strace $0x80000048  }
0x2a: {  	_ =	swait.ge [sflag:s29], $0x1  }
0x2b: {  	[sflag:s29] =	ssyncadd.s32 $0xFFFFFFFF  }
0x2c: {  	_ =	strace $0x90000048  }
0x2d: {  	_ =	sfence  }
0x2e: {  	s30 =	sld [smem:$0x0];
	_ =	sdelay $0x2  }
0x2f: {  	s31 =	sshll.u32 s3, $0xD;
	s3 =	sshrl.u32 s3, $0x2  }
0x30: {  	s2 =	sand.u32 $0x4000, s31;
	s1 =	sadd.s32 s3, s30  }
0x31: {  	s0 =	sor.u32 s2, s0;
	s1 =	sshll.u32 s1, $0x11  }
0x32: {  	s0 =	sor.u32 s1, s0  }
0x33: {  	s0 =	sadd.s32 $0x8F2B, s0  }
0x34: {  	[sflag:s0] =	ssyncadd.remote.s32 $0x1  }
0x35: {  	_ =	sfence.sel $0xFFFF  }
0x36: {  	[dreg:$0x0] =	wrdreg $0xFFFFFFFF;
	(pc) =	sbr.abs _section_cstart, $3  }
0x37: {  	[dreg:$0x1] =	wrdreg $0xFFFFFFFF  }
0x38: {  	_ =	task.clear_ibuf [dreg:s6], $0x2FFFF;
	_ =	strace $0x9FFFFFFF  }
0x39: {  	(tm) =	ssettm $0x7FFFFFFF  }
tec
execute0_lowered:
.L_overlay_start_1:
0x0: {  	(tag) =	ssettag $0x1  }
0x1: {  	s0 =	srdreg.scid  }
0x2: {  	s1 =	sshll.u32 s0, $0x4  }
0x3: {  	s0 =	stileid.u32;
	s1 =	sand.u32 $0x10, s1  }
0x4: {  	s5 =	rddreg [dreg:$0x0];
	s2 =	sor.u32 s0, s1  }
0x5: {  	s31 =	simm.s32 $0x2;
	s11 =	simm.s32 $0x0;
	s3 =	ssub.s32 $0x1B, s2  }
0x6: {  	s8 =	simm.s32 $0x13C00;
	s12 =	simm.s32 $0x0;
	p0 =	sgt.s32 s3, $0x0  }
0x7: {  	s9 =	simm.s32 $0x0;
	s10 =	simm.s32 $0x0;
	s3 =	simm.s32 @!p0 $0x0  }
.Ltmp0:
0x8: {  	s1 =	rddreg [dreg:$0x1];
	s3 =	sadd.s32 $0x1F, s3;
	(pc) =	sbr.rel .LBB1_1-.Ltmp0, $4  }
0x9: {  	_ =	strace $0x80000047;
	s4 =	sshll.u32 s2, $0x4;
	s6 =	sshrl.u32 s3, $0x5  }
0xa: {  	s7 =	sadd.s32 s4, s5;
	s3 =	simm.s32 $0x1;
	s4 =	smul.u32 $0x4F, s6  }
0xb: {  	s5 =	sadd.s32 $0x800, s5;
	p0 =	por $0x0, $0x0;
	[sflag:s3] =	ssyncpa.u1 $0x0  }
0xc: {  	s6 =	sadd.s32 $0x4E2A00, s7;
	[sflag:s31] =	ssyncpa.u1 $0x0;
	s7 =	sadd.s32 $0x1, s4  }
.LBB1_4:
0xd: {  	v5 =	vld [tilespmem:s16+$0xFFFFFFD0];
	[tilespmem:s15+$0x2040 ss:$0x81] =	vst.msk $0xffff, v3;
	s18 =	sshll.u32 s12, $0x3  }
0xe: {  	v58 =	vld [tilespmem:s16+$0xFFFFFFE0];
	[tilespmem:s15+$0x2850 ss:$0x81] =	vst.msk $0xffff, v4;
	s24 =	sand.u32 $0x7F, s12;
	s18 =	sand.u32 $0xFFFFFC00, s18  }
0xf: {  	s17 =	sshra.s32 s17, $0x2;
	v59 =	vld [tilespmem:s16+$0xFFFFFFF0];
	[tilespmem:s15+$0x3060 ss:$0x81] =	vst.msk $0xffff, v2;
	s12 =	sor.u32 s24, s18  }
0x10: {  	v60 =	vld [tilespmem:s16+$0x0];
	[tilespmem:s15+$0x0 ss:$0x81] =	vst.msk $0xffff, v0;
	s14 =	sadd.s32 s17, s14;
	s25 =	smulhi.u32 $0xCF6474A9, s12  }
0x11: {  	v61 =	vld [tilespmem:s16+$0x10];
	[tilespmem:s14+$0x3870 ss:$0x81] =	vst.msk $0xffff, v1;
	s26 =	smulhi.u32 $0xCF6474A9, s18  }
0x12: {  	v62 =	vld [tilespmem:s16+$0x20];
	[tilespmem:s14+$0x810 ss:$0x81] =	vst.msk $0xffff, v5;
	s15 =	sshrl.u32 s25, $0xD  }
0x13: {  	v63 =	vld [tilespmem:s16+$0xFFFFFFC0];
	s27 =	sshrl.u32 s26, $0xD;
	[tilespmem:s14+$0x1020 ss:$0x81] =	vst.msk $0xffff, v58;
	s15 =	smul.u32 $0x2780, s15  }
0x14: {  	s11 =	smul.u32 $0x27800, s11;
	[tilespmem:s14+$0x1830 ss:$0x81] =	vst.msk $0xffff, v59;
	s16 =	sand.u32 $0x7F, s27  }
0x15: {  	[tilespmem:s14+$0x2040 ss:$0x81] =	vst.msk $0xffff, v60;
	s28 =	smul.u32 $0x4F0, s16;
	s12 =	ssub.s32 s12, s15  }
0x16: {  	s11 =	sadd.s32 s5, s11;
	[tilespmem:s14+$0x2850 ss:$0x81] =	vst.msk $0xffff, v61;
	s29 =	sand.u32 $0x7, s12  }
0x17: {  	[tilespmem:s14+$0x3060 ss:$0x81] =	vst.msk $0xffff, v62;
	s11 =	sadd.s32 s28, s11;
	s12 =	sshrl.u32 s12, $0x3;
	s30 =	sshll.u32 s29, $0x12  }
0x18: {  	[tilespmem:s14+$0x0 ss:$0x81] =	vst.msk $0xffff, v63;
	s11 =	sadd.s32 s12, s11;
	s31 =	sor.u32 $0x400, s30  }
0x19: {  	[hbm4b:s11+s31] =	stream.strided.scatter [tilespmem:s13], [sflag:$0x2], $0x4000, s8, s31, $0x20;
	[tilespmem:$0x10100] =	vst v63  }
.LBB1_5:
0x1a: {  	s13 =	sadd.s32 $0x80, s9  }
0x1b: {  	p2 =	sgt.s32 s13, $0x270F  }
0x1c: {  	s13 =	simm.s32 @p2 $0x0;
	p2 =	sne.s32 s10, s7  }
.Ltmp1:
0x1d: {  	p1 =	slt.u32 s10, $0x2;
	(pc) =	sbr.rel @!p2 .LBB1_6-.Ltmp1, $4  }
0x1e: {  	s11 =	simm.s32 @!p1 $0x2  }
0x1f: {  	s14 =	sadd.s32 $0x1, s10;
	s12 =	smov.u32 s9;
	_ =	swait.ge @!p1 [sflag:s11], $0x4000  }
0x20: {  	p0 =	por !p0, !p0;
	s10 =	smov.u32 s14;
	[sflag:s11] =	ssyncset.done @!p1 $0x0  }
0x21: {  	s9 =	smov.u32 s13;
	[sflag:s11] =	ssyncadd.s32 @!p1 $0xFFFFC000;
	s11 =	smov.u32 s2  }
.LBB1_1:
0x22: {  	p1 =	sge.u32 s10, s4  }
0x23: {  	p2 =	sgt.s32 @!p1 s9, $0x2690  }
0x24: {  	s13 =	smov.u32 s9;
	s14 =	sshra.s32 @!p1 s9, $0x1F;
	p2 =	por !p2, p1  }
0x25: {  	s14 =	sand.u32 @!p1 s14, s9;
	s13 =	simm.s32 @p2 $0x2690  }
0x26: {  	s13 =	ssub.s32 @!p1 s13, s14  }
0x27: {  	s31 =	sadd.s32 $0xFFFFFFFF, s10;
	s15 =	sxor.u32 @!p1 $0xFFFFFFFF, s10;
	s13 =	sadd.s32 @!p1 $0xFFFFD970, s13  }
0x28: {  	s16 =	simm.s32 @!p1 $0x80;
	s17 =	simm.s32 @!p1 $0x1000;
	s14 =	sshll.u32 @!p1 s13, $0x7  }
0x29: {  	p2 =	sgt.s32 @!p1 s13, $0x7F;
	s13 =	ssub.s32 @!p1 $0x4000, s14;
	s14 =	sshll.u32 @!p1 s15, $0xE  }
0x2a: {  	p2 =	por !p2, p1;
	s15 =	sshll.u32 @!p1 s9, $0x9;
	s13 =	sand.u32 @!p1 $0x3FFFFF80, s13  }
0x2b: {  	s14 =	sand.u32 @!p1 $0x4000, s14;
	s15 =	sadd.s32 @!p1 s15, s6;
	s13 =	simm.s32 @!p2 $0x0  }
0x2c: {  	[tilespmem:s14], [sflag:$0x1] =	stream.strided.gather @!p1 [hbm4b:s15+s16], s13, s17, s16, $0x38;
	[tilespmem:$0x10100] =	vst v63  }
0x2d: {  	p1 =	sge.u32 s31, s4  }
.Ltmp2:
0x2e: {  	_ = 	snop;
	(pc) =	sbr.rel @p1 .LBB1_5-.Ltmp2, $1  }
0x2f: {  	_ =	sdelay $0x3  }
0x30: {  	p1 =	sgt.s32 s12, $0x2690;
	s13 =	smov.u32 s12;
	s14 =	sshra.s32 s12, $0x1F  }
0x31: {  	s13 =	simm.s32 @!p1 $0x2690;
	s14 =	sand.u32 s14, s12  }
0x32: {  	s13 =	ssub.s32 s13, s14  }
0x33: {  	s13 =	sadd.s32 $0xFFFFD970, s13  }
0x34: {  	s29 =	sshll.u32 s13, $0x7  }
0x35: {  	s14 =	ssub.s32 $0x4000, s29  }
0x36: {  	p1 =	sgt.s32 s13, $0x7F;
	s13 =	sand.u32 $0x3FFFFF80, s14  }
0x37: {  	s14 =	simm.s32 $0x1;
	s13 =	simm.s32 @p1 $0x0  }
0x38: {  	s14 =	simm.s32 @!p0 $0x0;
	_ =	swait.ge [sflag:s3], s13  }
0x39: {  	s15 =	sshll.u32 s14, $0xE;
	s13 =	ssub.s32 $0x0, s13;
	[sflag:s3] =	ssyncset.done $0x0  }
0x3a: {  	s16 =	sor.u32 $0x40, s15;
	[sflag:s3] =	ssyncadd.s32 s13  }
0x3b: {  	s30 =	smul.u32 $0x10200, s14;
	v0 =	vld [tilespmem:s16+$0x30]  }
0x3c: {  	v1 =	vld [tilespmem:s16+$0xFFFFFFD0]  }
0x3d: {  	s13 =	sshrl.u32 s30, $0x2;
	v5 =	vld [tilespmem:s16+$0xFFFFFFE0]  }
0x3e: {  	s14 =	sor.u32 $0x8000, s13;
	v6 =	vld [tilespmem:s16+$0xFFFFFFF0]  }
0x3f: {  	s31 =	sand.u32 $0x1, s10;
	v3 =	vld [tilespmem:s16+$0x0];
	s15 =	sadd.s32 $0x0, s14  }
0x40: {  	s13 =	smul.u32 $0x10200, s31;
	v4 =	vld [tilespmem:s16+$0x10];
	[tilespmem:s15+$0x3870 ss:$0x81] =	vst.msk $0xffff, v0  }
0x41: {  	v2 =	vld [tilespmem:s16+$0x20];
	[tilespmem:s15+$0x810 ss:$0x81] =	vst.msk $0xffff, v1  }
0x42: {  	s13 =	sshrl.u32 s13, $0x2;
	v0 =	vld [tilespmem:s16+$0xFFFFFFC0];
	[tilespmem:s15+$0x1020 ss:$0x81] =	vst.msk $0xffff, v5;
	s16 =	sadd.s32 $0x80, s16  }
0x43: {  	s17 =	simm.s32 $0x4;
	s18 =	simm.s32 $0x8;
	s13 =	sor.u32 $0x8000, s13;
	[tilespmem:s15+$0x1830 ss:$0x81] =	vst.msk $0xffff, v6;
	v1 =	vld [tilespmem:s16+$0x30]  }
.LBB1_3:
0x44: {  	p1 =	sne.s32 s18, $0x1FC;
	v5 =	vld [tilespmem:s16+$0xFFFFFFD0];
	[tilespmem:s15+$0x2040 ss:$0x81] =	vst.msk $0xffff, v3  }
0x45: {  	v6 =	vld [tilespmem:s16+$0xFFFFFFE0];
	[tilespmem:s15+$0x2850 ss:$0x81] =	vst.msk $0xffff, v4  }
0x46: {  	s19 =	sshra.s32 s17, $0x2;
	s17 =	smov.u32 s18;
	v7 =	vld [tilespmem:s16+$0xFFFFFFF0];
	[tilespmem:s15+$0x3060 ss:$0x81] =	vst.msk $0xffff, v2  }
.Ltmp3:
0x47: {  	v3 =	vld [tilespmem:s16+$0x0];
	[tilespmem:s15+$0x0 ss:$0x81] =	vst.msk $0xffff, v0;
	s15 =	sadd.s32 s19, s14;
	(pc) =	sbr.rel @p1 .LBB1_3-.Ltmp3, $4  }
0x48: {  	v4 =	vld [tilespmem:s16+$0x10];
	[tilespmem:s15+$0x3870 ss:$0x81] =	vst.msk $0xffff, v1  }
0x49: {  	[tilespmem:s15+$0x810 ss:$0x81] =	vst.msk $0xffff, v5;
	v2 =	vld [tilespmem:s16+$0x20]  }
0x4a: {  	v0 =	vld [tilespmem:s16+$0xFFFFFFC0];
	[tilespmem:s15+$0x1020 ss:$0x81] =	vst.msk $0xffff, v6;
	s16 =	sadd.s32 $0x80, s16  }
0x4b: {  	s18 =	sadd.s32 $0x4, s18;
	v1 =	vld [tilespmem:s16+$0x30];
	[tilespmem:s15+$0x1830 ss:$0x81] =	vst.msk $0xffff, v7  }
.Ltmp4:
0x4c: {  	_ = 	snop;
	(pc) =	sbr.rel .LBB1_4-.Ltmp4, $1  }
0x4d: {  	_ =	sdelay $0x3  }
.LBB1_6:
0x4e: {  	_ =	sfence.sel $0x180000  }
0x4f: {  	s2 =	simm.s32 $0x1;
	[bflag:$0x0] =	sbarrier.arrive $0xFFFF  }
0x50: {  	s31 =	simm.s32 $0x2;
	[sflag:s2] =	ssyncpa.u1 $0x1  }
0x51: {  	[sflag:s31] =	ssyncpa.u1 $0x1  }
0x52: {  	p0 =	sne.s32 s0, $0x0;
	_ =	strace $0x90000047  }
0x53: {  	s0 =	sadd.s32 @!p0 $0x100000, s1;
	[bflag:$0x2] =	sbarrier.arrive $0xFFFF  }
0x54: {  	[sflag:s0] =	ssyncadd.tile.s32 @!p0 $0x1;
	_ =	shalt  }
.Lfunc_end1:
_tile_overlayer_lowered:
.L_overlay_start_2:
0x55: {  	(tag) =	ssettag $0x2  }
0x56: {  	s0 =	rddreg [dreg:$0x0];
	s2 =	stileid.u32  }
0x57: {  	s1 =	rddreg [dreg:$0x1];
	p0 =	sne.s32 s2, $0x0  }
0x58: {  	s3 =	rddreg [dreg:$0x2];
	[bflag:$0x3] =	sbarrier.arrive $0xFFFF;
	s2 =	simm.s32 @!p0 $0x1C01  }
0x59: {  	[timem:s3], [sflag:s2] =	dma.local @!p0 [hbm:s0], s1  }
0x5a: {  	s0 =	simm.s32 @!p0 $0x1  }
0x5b: {  	_ =	swait.ge @!p0 [sflag:s0], s1  }
0x5c: {  	s1 =	ssub.s32 @!p0 $0x0, s1;
	[sflag:s0] =	ssyncset.done @!p0 $0x0  }
0x5d: {  	[sflag:s0] =	ssyncadd.s32 @!p0 s1  }
0x5e: {  	[bflag:$0x3] =	sbarrier.arrive $0xFFFF  }
0x5f: {  	_ =	shalt  }

</sc_bundles>
